<compile_context>
chip_gen: v7x
topology: tpu7x:2x2x1
jax: 0.10.2.dev20260603
libtpu: 0.0.44.dev20260713+nightly
codegen_flags: <defaults>
</compile_context>

<pallas_src>
import functools

import jax
import jax.numpy as jnp
from jax import lax
from jax.experimental import pallas as pl
from jax.experimental.pallas import tpu as pltpu
from jax.experimental.pallas import tpu_sc as plsc


def _cdiv(a, b):
    return (a + b - 1) // b



_B = 128
_SP = 10240
_LANES = 16


def _segsum_body(ne, S, C, data_hbm, idx_hbm, se_hbm, zeros_hbm, out_hbm,
                 se_v, idx_v, lidx_v, dbuf_v, zbuf_v, acc_sh):
    c = lax.axis_index("c")
    s = lax.axis_index("s")
    pltpu.sync_copy(se_hbm, se_v)
    pltpu.sync_copy(zeros_hbm, zbuf_v)
    lane = lax.broadcasted_iota(jnp.int32, (_LANES,), 0)

    def _extract(j):
        vec = se_v[pl.ds((j // _LANES) * _LANES, _LANES)]
        return jnp.squeeze(lax.slice(vec, (j % _LANES,), (j % _LANES + 1,)))

    for k in range(C):
        start = _extract(k)
        end = _extract(32 + k)
        base = k * S
        for j in range(_SP // (16 * 128)):
            pltpu.sync_copy(zbuf_v, acc_sh.at[pl.ds(s * (_SP // 16) + j * 128, 128)])
        plsc.subcore_barrier()
        cnt = end - start
        lo = start + ((cnt * s) // 16 & -128)
        hi = jnp.where(s == 15, end, start + ((cnt * (s + 1)) // 16 & -128))
        nb = (hi - lo) // _B

        def batch_body(b, carry2):
            p = pl.multiple_of(lo + b * _B, 128)
            pltpu.sync_copy(idx_hbm.at[pl.ds(p, _B)], idx_v)
            pltpu.sync_copy(data_hbm.at[c, pl.ds(p, _B)], dbuf_v)
            for i in range(_B // _LANES):
                d = idx_v[pl.ds(i * _LANES, _LANES)]
                pos = p + i * _LANES + lane
                valid = (d >= base) & (d < base + S) & (pos < hi)
                lidx_v[pl.ds(i * _LANES, _LANES)] = jnp.where(valid, d - base, _SP - 1)
            pltpu.sync_copy(dbuf_v, acc_sh.at[lidx_v], add=True)
            return carry2

        lax.fori_loop(0, nb, batch_body, 0)
        plsc.subcore_barrier()
        pltpu.sync_copy(acc_sh.at[pl.ds(s * (S // 16), S // 16)],
                        out_hbm.at[c, pl.ds(base + s * (S // 16), S // 16)])
        plsc.subcore_barrier()


@functools.partial(jax.jit, static_argnames=("S", "C"))
def _segsum2(data, idx, se, zeros128, S, C):
    ne = data.shape[1]
    mesh = plsc.VectorSubcoreMesh(core_axis_name="c", subcore_axis_name="s",
                                  num_cores=2, num_subcores=16)
    f = pl.kernel(
        functools.partial(_segsum_body, ne, S, C),
        out_type=jax.ShapeDtypeStruct((2, C * S, 128), jnp.float32),
        mesh=mesh,
        scratch_types=[
            pltpu.VMEM((64,), jnp.int32),
            pltpu.VMEM((_B,), jnp.int32),
            pltpu.VMEM((_B,), jnp.int32),
            pltpu.VMEM((_B, 128), jnp.float32),
            pltpu.VMEM((128, 128), jnp.float32),
            pltpu.VMEM_SHARED((_SP, 128), jnp.float32),
        ],
    )
    return f(data, idx, se, zeros128)




def _gather_body(ne, tbl1_hbm, tbl2_hbm, src_hbm, dst_hbm, out_hbm,
                 sidx_v, didx_v, g1_v, g2_v, sem):
    c = lax.axis_index("c")
    s = lax.axis_index("s")
    w = s * 2 + c
    nb_tot = ne // _B
    lo_b = w * nb_tot // 32
    hi_b = (w + 1) * nb_tot // 32

    def batch_body(b, carry):
        p = pl.multiple_of(b * _B, 128)
        pltpu.sync_copy(src_hbm.at[pl.ds(p, _B)], sidx_v)
        pltpu.sync_copy(dst_hbm.at[pl.ds(p, _B)], didx_v)
        cp1 = pltpu.async_copy(tbl1_hbm.at[sidx_v], g1_v, sem)
        cp2 = pltpu.async_copy(tbl2_hbm.at[didx_v], g2_v, sem)
        cp1.wait()
        cp2.wait()
        pltpu.sync_copy(g1_v, out_hbm.at[pl.ds(p, _B), pl.ds(0, 256)])
        pltpu.sync_copy(g2_v, out_hbm.at[pl.ds(p, _B), pl.ds(256, 128)])
        return carry

    lax.fori_loop(lo_b, hi_b, batch_body, 0)


@jax.jit
def _gather2(tbl1, tbl2, src, dst):
    ne = src.shape[0]
    mesh = plsc.VectorSubcoreMesh(core_axis_name="c", subcore_axis_name="s",
                                  num_cores=2, num_subcores=16)
    f = pl.kernel(
        functools.partial(_gather_body, ne),
        out_type=jax.ShapeDtypeStruct((ne, 384), jnp.float32),
        mesh=mesh,
        scratch_types=[
            pltpu.VMEM((_B,), jnp.int32),
            pltpu.VMEM((_B,), jnp.int32),
            pltpu.VMEM((_B, 256), jnp.float32),
            pltpu.VMEM((_B, 128), jnp.float32),
            pltpu.SemaphoreType.DMA,
        ],
    )
    return f(tbl1, tbl2, src, dst)




def _gatherr_body(ne, r4_hbm, lsrc_hbm, ldst_hbm, out_hbm,
                  sidx_v, didx_v, g1_v, g2_v, sem):
    c = lax.axis_index("c")
    s = lax.axis_index("s")
    w = s * 2 + c
    nb_tot = ne // _B
    lo_b = w * nb_tot // 32
    hi_b = (w + 1) * nb_tot // 32

    def batch_body(b, carry):
        p = pl.multiple_of(b * _B, 128)
        pltpu.sync_copy(lsrc_hbm.at[pl.ds(p, _B)], sidx_v)
        pltpu.sync_copy(ldst_hbm.at[pl.ds(p, _B)], didx_v)
        cp1 = pltpu.async_copy(r4_hbm.at[sidx_v], g1_v, sem)
        cp2 = pltpu.async_copy(r4_hbm.at[didx_v], g2_v, sem)
        cp1.wait()
        cp2.wait()
        pltpu.sync_copy(g1_v, out_hbm.at[0, pl.ds(p, _B)])
        pltpu.sync_copy(g2_v, out_hbm.at[1, pl.ds(p, _B)])
        return carry

    lax.fori_loop(lo_b, hi_b, batch_body, 0)


@jax.jit
def _gatherr(r4, lsrc, ldst):
    ne = lsrc.shape[0]
    mesh = plsc.VectorSubcoreMesh(core_axis_name="c", subcore_axis_name="s",
                                  num_cores=2, num_subcores=16)
    f = pl.kernel(
        functools.partial(_gatherr_body, ne),
        out_type=jax.ShapeDtypeStruct((2, ne, 128), jnp.float32),
        mesh=mesh,
        scratch_types=[
            pltpu.VMEM((_B,), jnp.int32),
            pltpu.VMEM((_B,), jnp.int32),
            pltpu.VMEM((_B, 128), jnp.float32),
            pltpu.VMEM((_B, 128), jnp.float32),
            pltpu.SemaphoreType.DMA,
        ],
    )
    return f(r4, lsrc, ldst)




def _dense_body(x_ref, w_ref, b_ref, g_ref, bb_ref, o_ref, *, ln, act):
    x = x_ref[...]
    y = jnp.dot(x, w_ref[...], preferred_element_type=jnp.float32) + b_ref[...]
    if ln:
        mu = jnp.mean(y, axis=-1, keepdims=True)
        var = jnp.mean((y - mu) ** 2, axis=-1, keepdims=True)
        y = (y - mu) * lax.rsqrt(var + 1e-5) * g_ref[...] + bb_ref[...]
    if act:
        y = y * jax.nn.sigmoid(y)
    o_ref[...] = y


@functools.partial(jax.jit, static_argnames=("ln", "act", "blk"))
def _dense(x, W, b, g, bb, ln=True, act=True, blk=1000):
    n, fin = x.shape
    fout = W.shape[1]
    npad = _cdiv(n, blk) * blk
    if npad != n:
        x = jnp.pad(x, ((0, npad - n), (0, 0)))
    grid = (npad // blk,)
    out = pl.pallas_call(
        functools.partial(_dense_body, ln=ln, act=act),
        grid=grid,
        in_specs=[
            pl.BlockSpec((blk, fin), lambda i: (i, 0)),
            pl.BlockSpec((fin, fout), lambda i: (0, 0)),
            pl.BlockSpec((fout,), lambda i: (0,)),
            pl.BlockSpec((fout,), lambda i: (0,)),
            pl.BlockSpec((fout,), lambda i: (0,)),
        ],
        out_specs=pl.BlockSpec((blk, fout), lambda i: (i, 0)),
        out_shape=jax.ShapeDtypeStruct((npad, fout), jnp.float32),
    )(x, W, b, g, bb)
    return out[:n]


def _mlp(p, x):
    return _dense(x, p["lin"]["W"], p["lin"]["b"], p["ln"]["g"], p["ln"]["b"],
                  ln=True, act=True)


def _lin_pl(p, x):
    z = jnp.zeros((p["W"].shape[1],), jnp.float32)
    o = jnp.ones((p["W"].shape[1],), jnp.float32)
    return _dense(x, p["W"], p["b"], o, z, ln=False, act=False)


def _rbf(d, vmin, vmax, bins):
    centers = jnp.linspace(vmin, vmax, bins)
    gamma = 1.0 / (centers[1] - centers[0])
    return jnp.exp(-gamma * (d[:, None] - centers[None, :]) ** 2)


def _silu(x):
    return x * jax.nn.sigmoid(x)


def _ln(p, x):
    mu = x.mean(-1, keepdims=True)
    var = x.var(-1, keepdims=True)
    return (x - mu) / jnp.sqrt(var + 1e-5) * p["g"] + p["b"]



def _edgemid_body(g_ref, e_ref, w_ref, b_ref, m_ref, s_ref):
    eg = jnp.dot(e_ref[...], w_ref[...], preferred_element_type=jnp.float32) + b_ref[...]
    m = g_ref[:, :128] + g_ref[:, 256:] + eg
    sig = jax.nn.sigmoid(m)
    m_ref[...] = m
    s_ref[0] = g_ref[:, 128:256] * sig
    s_ref[1] = sig


@jax.jit
def _edgemid(gath, e, W, b):
    ne = e.shape[0]
    blk = 1000
    grid = (ne // blk,)
    return pl.pallas_call(
        _edgemid_body,
        grid=grid,
        in_specs=[
            pl.BlockSpec((blk, 384), lambda i: (i, 0)),
            pl.BlockSpec((blk, 128), lambda i: (i, 0)),
            pl.BlockSpec((128, 128), lambda i: (0, 0)),
            pl.BlockSpec((128,), lambda i: (0,)),
        ],
        out_specs=[
            pl.BlockSpec((blk, 128), lambda i: (i, 0)),
            pl.BlockSpec((2, blk, 128), lambda i: (0, i, 0)),
        ],
        out_shape=[
            jax.ShapeDtypeStruct((ne, 128), jnp.float32),
            jax.ShapeDtypeStruct((2, ne, 128), jnp.float32),
        ],
    )(gath, e, W, b)



def _nodepost_body(h_ref, nd_ref, w_ref, b_ref, g_ref, bb_ref, o_ref):
    hag = nd_ref[0] / (nd_ref[1] + 1e-6)
    y = jnp.dot(h_ref[...], w_ref[...], preferred_element_type=jnp.float32) \
        + b_ref[...] + hag
    mu = jnp.mean(y, axis=-1, keepdims=True)
    var = jnp.mean((y - mu) ** 2, axis=-1, keepdims=True)
    y = (y - mu) * lax.rsqrt(var + 1e-5) * g_ref[...] + bb_ref[...]
    o_ref[...] = h_ref[...] + y * jax.nn.sigmoid(y)


@jax.jit
def _nodepost(h, nd, W, b, g, bb):
    n = h.shape[0]
    blk = 1000
    grid = (n // blk,)
    return pl.pallas_call(
        _nodepost_body,
        grid=grid,
        in_specs=[
            pl.BlockSpec((blk, 128), lambda i: (i, 0)),
            pl.BlockSpec((2, blk, 128), lambda i: (0, i, 0)),
            pl.BlockSpec((128, 128), lambda i: (0, 0)),
            pl.BlockSpec((128,), lambda i: (0,)),
            pl.BlockSpec((128,), lambda i: (0,)),
            pl.BlockSpec((128,), lambda i: (0,)),
        ],
        out_specs=pl.BlockSpec((blk, 128), lambda i: (i, 0)),
        out_shape=jax.ShapeDtypeStruct((n, 128), jnp.float32),
    )(h, nd, W, b, g, bb)



def _edgepost_body(m_ref, e_ref, g_ref, bb_ref, o_ref):
    y = m_ref[...]
    mu = jnp.mean(y, axis=-1, keepdims=True)
    var = jnp.mean((y - mu) ** 2, axis=-1, keepdims=True)
    y = (y - mu) * lax.rsqrt(var + 1e-5) * g_ref[...] + bb_ref[...]
    o_ref[...] = e_ref[...] + y * jax.nn.sigmoid(y)


@jax.jit
def _edgepost(m, e, g, bb):
    ne = m.shape[0]
    blk = 1000
    grid = (ne // blk,)
    return pl.pallas_call(
        _edgepost_body,
        grid=grid,
        in_specs=[
            pl.BlockSpec((blk, 128), lambda i: (i, 0)),
            pl.BlockSpec((blk, 128), lambda i: (i, 0)),
            pl.BlockSpec((128,), lambda i: (0,)),
            pl.BlockSpec((128,), lambda i: (0,)),
        ],
        out_specs=pl.BlockSpec((blk, 128), lambda i: (i, 0)),
        out_shape=jax.ShapeDtypeStruct((ne, 128), jnp.float32),
    )(m, e, g, bb)


def _eggc(p, src, dst, n, h, e, se, S, C, zeros128):
    W1 = jnp.concatenate([p["src_gate"]["W"], p["dst_update"]["W"]], axis=1)
    b1 = jnp.concatenate([p["src_gate"]["b"], p["dst_update"]["b"]])
    tbl1 = _dense(h, W1, b1, b1, b1, ln=False, act=False)
    tbl2 = _lin_pl(p["dst_gate"], h)
    gath = _gather2(tbl1, tbl2, src, dst)
    m, scat = _edgemid(gath, e, p["edge_gate"]["W"], p["edge_gate"]["b"])
    nd = _segsum2(scat, dst, se, zeros128, S=S, C=C)
    h_out = _nodepost(h, nd, p["src_update"]["W"], p["src_update"]["b"],
                      p["bn_nodes"]["g"], p["bn_nodes"]["b"])
    e_out = _edgepost(m, e, p["bn_edges"]["g"], p["bn_edges"]["b"])
    return h_out, e_out


def _mk_se(starts, ends):
    z = jnp.zeros((32,), jnp.int32)
    return jnp.concatenate([
        z.at[: starts.shape[0]].set(starts),
        z.at[: ends.shape[0]].set(ends),
    ])


def kernel(x, r, edge_index, lg_edge_index, params):
    n = x.shape[0]
    ne = r.shape[0]
    nl = lg_edge_index.shape[1]

    src, dst = edge_index[0], edge_index[1]
    ldst, lsrc = lax.sort((lg_edge_index[1], lg_edge_index[0]), num_keys=1)

    S_G, C_G = 10240, 1
    S_L, C_L = 8192, 20
    se_g = _mk_se(jnp.zeros((1,), jnp.int32), jnp.array([ne], jnp.int32))
    t = jnp.searchsorted(ldst, jnp.arange(C_L, dtype=jnp.int32) * S_L).astype(jnp.int32) & (-128)
    ends = jnp.minimum(jnp.concatenate([t[1:], jnp.array([nl], jnp.int32)]) + 128, nl)
    se_l = _mk_se(t, ends)
    zeros128 = jnp.zeros((128, 128), jnp.float32)

    h = _mlp(params["atom_embedding"], x)
    bondlength = jnp.linalg.norm(r, axis=1)
    y = _rbf(bondlength, 0.0, 8.0, 80)
    y = _mlp(params["edge_embedding"][0], y)
    y = _mlp(params["edge_embedding"][1], y)
    r4 = jnp.pad(r, ((0, 0), (0, 125)))
    g12 = _gatherr(r4, lsrc, ldst)
    r1 = -g12[0, :, :3]
    r2 = g12[1, :, :3]
    cos = (r1 * r2).sum(axis=1) / (jnp.linalg.norm(r1, axis=1) * jnp.linalg.norm(r2, axis=1))
    z = _rbf(cos, -1.0, 1.0, 40)
    z = _mlp(params["angle_embedding"][0], z)
    z = _mlp(params["angle_embedding"][1], z)
    for lp in params["alignn_layers"]:
        h, m = _eggc(lp["node_update"], src, dst, n, h, y, se_g, S_G, C_G, zeros128)
        y, z = _eggc(lp["edge_update"], lsrc, ldst, ne, m, z, se_l, S_L, C_L, zeros128)
    for gp in params["gcn_layers"]:
        h, y = _eggc(gp, src, dst, n, h, y, se_g, S_G, C_G, zeros128)
    hg = h.mean(axis=0)
    out = hg @ params["fc"]["W"] + params["fc"]["b"]
    return jnp.squeeze(out)

# --- scband reference (transcript-rebuilt; emitter-appended) ---
"""Pipeline reference for scband-alignnatom-wise-4526895530073 (READ-ONLY COPY).

The authoritative reference and input builder live on the scoring server;
editing this copy changes nothing except your own understanding.
"""

import jax, jax.numpy as jnp
import numpy as np

N_NODES = 10000
N_EDGES = 160000
N_LG_EDGES = 320000
ATOM_IN = 92
EDGE_BINS = 80
TRIPLET_BINS = 40
EMBED = 64
HIDDEN = 128
ALIGNN_LAYERS = 2
GCN_LAYERS = 2
OUT_FEATURES = 1


def _mk_lin(key, fin, fout):
    k1, k2 = jax.random.split(key)
    s = 1.0 / np.sqrt(fin)
    return {"W": jax.random.uniform(k1, (fin, fout), minval=-s, maxval=s, dtype=jnp.float32),
            "b": jax.random.uniform(k2, (fout,), minval=-s, maxval=s, dtype=jnp.float32)}


def _mk_ln(f):
    return {"g": jnp.ones((f,), jnp.float32), "b": jnp.zeros((f,), jnp.float32)}


def _mk_mlp(key, fin, fout):
    return {"lin": _mk_lin(key, fin, fout), "ln": _mk_ln(fout)}


def _mk_eggc(key, f):
    ks = jax.random.split(key, 5)
    return {"src_gate": _mk_lin(ks[0], f, f), "dst_gate": _mk_lin(ks[1], f, f),
            "edge_gate": _mk_lin(ks[2], f, f), "src_update": _mk_lin(ks[3], f, f),
            "dst_update": _mk_lin(ks[4], f, f),
            "bn_nodes": _mk_ln(f), "bn_edges": _mk_ln(f)}


def _lin(p, x):
    return x @ p["W"] + p["b"]


def _ln(p, x):
    mu = x.mean(-1, keepdims=True)
    var = x.var(-1, keepdims=True)
    return (x - mu) / jnp.sqrt(var + 1e-5) * p["g"] + p["b"]


def _silu(x):
    return x * jax.nn.sigmoid(x)


def _mlp(p, x):
    return _silu(_ln(p["ln"], _lin(p["lin"], x)))


def _rbf(d, vmin, vmax, bins):
    centers = jnp.linspace(vmin, vmax, bins)
    gamma = 1.0 / (centers[1] - centers[0])
    return jnp.exp(-gamma * (d[:, None] - centers[None, :]) ** 2)


def _eggc(p, src, dst, n, h, e):
    # edge-gated graph convolution (arxiv:1711.07553), residual=True
    m = _lin(p["src_gate"], h)[src] + _lin(p["dst_gate"], h)[dst] + _lin(p["edge_gate"], e)
    sigma = jax.nn.sigmoid(m)
    Bh = _lin(p["dst_update"], h)
    sum_sigma_h = jax.ops.segment_sum(Bh[src] * sigma, dst, num_segments=n)
    sum_sigma = jax.ops.segment_sum(sigma, dst, num_segments=n)
    hagg = sum_sigma_h / (sum_sigma + 1e-6)
    x = _silu(_ln(p["bn_nodes"], _lin(p["src_update"], h) + hagg))
    y = _silu(_ln(p["bn_edges"], m))
    return h + x, e + y


def setup_inputs(seed: int = 0):
    key = jax.random.key(seed)
    ks = jax.random.split(key, 13)
    x = jax.random.normal(ks[0], (N_NODES, ATOM_IN), dtype=jnp.float32)
    r = jax.random.normal(ks[1], (N_EDGES, 3), dtype=jnp.float32)
    edge_index = jax.random.randint(ks[2], (2, N_EDGES), 0, N_NODES, dtype=jnp.int32)
    lg_edge_index = jax.random.randint(ks[3], (2, N_LG_EDGES), 0, N_EDGES, dtype=jnp.int32)
    params = {
        "atom_embedding": _mk_mlp(ks[4], ATOM_IN, HIDDEN),
        "edge_embedding": [_mk_mlp(ks[5], EDGE_BINS, EMBED), _mk_mlp(ks[6], EMBED, HIDDEN)],
        "angle_embedding": [_mk_mlp(ks[7], TRIPLET_BINS, EMBED), _mk_mlp(ks[8], EMBED, HIDDEN)],
        "alignn_layers": [{"node_update": _mk_eggc(jax.random.fold_in(ks[9], i), HIDDEN),
                           "edge_update": _mk_eggc(jax.random.fold_in(ks[10], i), HIDDEN)}
                          for i in range(ALIGNN_LAYERS)],
        "gcn_layers": [_mk_eggc(jax.random.fold_in(ks[11], i), HIDDEN) for i in range(GCN_LAYERS)],
        "fc": _mk_lin(ks[12], HIDDEN, OUT_FEATURES),
    }
    return {"x": x, "r": r, "edge_index": edge_index, "lg_edge_index": lg_edge_index, "params": params}


def _forward(x, r, edge_index, lg_edge_index, params):
    src, dst = edge_index[0], edge_index[1]
    lsrc, ldst = lg_edge_index[0], lg_edge_index[1]
    n = x.shape[0]
    n_edges = r.shape[0]
    h = _mlp(params["atom_embedding"], x)
    bondlength = jnp.linalg.norm(r, axis=1)
    y = _rbf(bondlength, 0.0, 8.0, EDGE_BINS)
    y = _mlp(params["edge_embedding"][0], y)
    y = _mlp(params["edge_embedding"][1], y)
    # compute_bond_cosines on line graph: r1 = -r[src_edge], r2 = r[dst_edge]
    r1 = -r[lsrc]
    r2 = r[ldst]
    cos = (r1 * r2).sum(axis=1) / (jnp.linalg.norm(r1, axis=1) * jnp.linalg.norm(r2, axis=1))
    z = _rbf(cos, -1.0, 1.0, TRIPLET_BINS)
    z = _mlp(params["angle_embedding"][0], z)
    z = _mlp(params["angle_embedding"][1], z)
    for lp in params["alignn_layers"]:
        h, m = _eggc(lp["node_update"], src, dst, n, h, y)
        y, z = _eggc(lp["edge_update"], lsrc, ldst, n_edges, m, z)
    for gp in params["gcn_layers"]:
        h, y = _eggc(gp, src, dst, n, h, y)
    hg = h.mean(axis=0)  # AvgPooling readout (single graph)
    out = hg @ params["fc"]["W"] + params["fc"]["b"]  # link = identity
    return jnp.squeeze(out)


def reference(x, r, edge_index, lg_edge_index, params):
    return _forward(x, r, edge_index, lg_edge_index, params)

if __name__ == "__main__":
    import jax
    _d = setup_inputs()
    print(jax.jit(kernel)(*tuple(_d.values())))

</pallas_src>

<mosaic_0001>
#map = affine_map<(d0, d1) -> (0, 0)>
#map1 = affine_map<(d0, d1) -> (0)>
#map2 = affine_map<(d0, d1) -> (0, 0, 0)>
module attributes {stable_mosaic.version = 14 : i64} {
  func.func @_gatherr_body(%arg0: i32, %arg1: i32, %arg2: memref<160000x128xf32, #tpu.memory_space<hbm>>, %arg3: memref<320000xi32, #tpu.memory_space<hbm>>, %arg4: memref<320000xi32, #tpu.memory_space<hbm>>, %arg5: memref<2x320000x128xf32, #tpu.memory_space<hbm>>, %arg6: memref<128xi32, #tpu.memory_space<vmem>>, %arg7: memref<128xi32, #tpu.memory_space<vmem>>, %arg8: memref<128x128xf32, #tpu.memory_space<vmem>>, %arg9: memref<128x128xf32, #tpu.memory_space<vmem>>, %arg10: memref<!tpu.dma_semaphore, #tpu.memory_space<semaphore_mem>>) attributes {dimension_semantics = [#tpu.dimension_semantics<core_parallel>, #tpu.dimension_semantics<subcore_parallel>], iteration_bounds = array<i64: 2, 16>, scalar_prefetch = 0 : i64, scratch_operands = 5 : i64, tpu.core_type = #tpu.core_type<sc_vector_subcore>, window_params = [{transform_indices = #map}, {transform_indices = #map1}, {transform_indices = #map1}, {transform_indices = #map2}]} {
    %mul3A = arith.constant 2 : i32
    %mul3A_0 = arith.muli %arg1, %mul3A : i32
    %add3A = arith.addi %mul3A_0, %arg0 : i32
    %mul3A_1 = arith.constant 2500 : i32
    %mul3A_2 = arith.muli %add3A, %mul3A_1 : i32
    %jit3A = arith.constant 32 : i32
    %div3A = arith.divsi %mul3A_2, %jit3A : i32
    %sign3A = arith.constant 0 : i32
    %sign3A_3 = arith.cmpi sgt, %mul3A_2, %sign3A : i32
    %sign3A_4 = arith.extui %sign3A_3 : i1 to i32
    %sign3A_5 = arith.constant 0 : i32
    %sign3A_6 = arith.cmpi slt, %mul3A_2, %sign3A_5 : i32
    %sign3A_7 = arith.extui %sign3A_6 : i1 to i32
    %sign3A_8 = arith.subi %sign3A_4, %sign3A_7 : i32
    %sign3A_9 = arith.constant 0 : i32
    %sign3A_10 = arith.cmpi sgt, %jit3A, %sign3A_9 : i32
    %sign3A_11 = arith.extui %sign3A_10 : i1 to i32
    %sign3A_12 = arith.constant 0 : i32
    %sign3A_13 = arith.cmpi slt, %jit3A, %sign3A_12 : i32
    %sign3A_14 = arith.extui %sign3A_13 : i1 to i32
    %sign3A_15 = arith.subi %sign3A_11, %sign3A_14 : i32
    %ne3A = arith.cmpi ne, %sign3A_8, %sign3A_15 : i32
    %rem3A = arith.remsi %mul3A_2, %jit3A : i32
    %ne3A_16 = arith.constant 0 : i32
    %ne3A_17 = arith.cmpi ne, %rem3A, %ne3A_16 : i32
    %and3A = arith.andi %ne3A, %ne3A_17 : i1
    %sub3A = arith.constant 1 : i32
    %sub3A_18 = arith.subi %div3A, %sub3A : i32
    %select_n3A = arith.select %and3A, %sub3A_18, %div3A : i32
    %add3A_19 = arith.constant 1 : i32
    %add3A_20 = arith.addi %add3A, %add3A_19 : i32
    %mul3A_21 = arith.constant 2500 : i32
    %mul3A_22 = arith.muli %add3A_20, %mul3A_21 : i32
    %jit3A_23 = arith.constant 32 : i32
    %div3A_24 = arith.divsi %mul3A_22, %jit3A_23 : i32
    %sign3A_25 = arith.constant 0 : i32
    %sign3A_26 = arith.cmpi sgt, %mul3A_22, %sign3A_25 : i32
    %sign3A_27 = arith.extui %sign3A_26 : i1 to i32
    %sign3A_28 = arith.constant 0 : i32
    %sign3A_29 = arith.cmpi slt, %mul3A_22, %sign3A_28 : i32
    %sign3A_30 = arith.extui %sign3A_29 : i1 to i32
    %sign3A_31 = arith.subi %sign3A_27, %sign3A_30 : i32
    %sign3A_32 = arith.constant 0 : i32
    %sign3A_33 = arith.cmpi sgt, %jit3A_23, %sign3A_32 : i32
    %sign3A_34 = arith.extui %sign3A_33 : i1 to i32
    %sign3A_35 = arith.constant 0 : i32
    %sign3A_36 = arith.cmpi slt, %jit3A_23, %sign3A_35 : i32
    %sign3A_37 = arith.extui %sign3A_36 : i1 to i32
    %sign3A_38 = arith.subi %sign3A_34, %sign3A_37 : i32
    %ne3A_39 = arith.cmpi ne, %sign3A_31, %sign3A_38 : i32
    %rem3A_40 = arith.remsi %mul3A_22, %jit3A_23 : i32
    %ne3A_41 = arith.constant 0 : i32
    %ne3A_42 = arith.cmpi ne, %rem3A_40, %ne3A_41 : i32
    %and3A_43 = arith.andi %ne3A_39, %ne3A_42 : i1
    %sub3A_44 = arith.constant 1 : i32
    %sub3A_45 = arith.subi %div3A_24, %sub3A_44 : i32
    %select_n3A_46 = arith.select %and3A_43, %sub3A_45, %div3A_24 : i32
    %while3A = arith.constant 0 : i32
    %while3A_47 = arith.subi %select_n3A_46, %select_n3A : i32
    %while3A_48 = arith.addi %select_n3A, %while3A_47 : i32
    %while3A_49 = arith.constant 1 : i32
    %while3A_50 = arith.divsi %while3A_47, %while3A_49 : i32
    %while3A_51 = arith.muli %while3A_50, %while3A_49 : i32
    %while3A_52 = arith.addi %select_n3A, %while3A_51 : i32
    %while3A_53 = arith.constant 1 : i32
    scf.for %while3A_55 = %select_n3A to %while3A_52 step %while3A_53  : i32 {
      %mul3A_56 = arith.constant 128 : i32
      %mul3A_57 = arith.muli %while3A_55, %mul3A_56 : i32
      %multiple_of3A = tpu.assume_multiple %mul3A_57, 128 : i32
      "tpu.region"() ({
        %run_scoped3A_69 = tpu.sem_alloc : memref<!tpu.dma_semaphore, #tpu.memory_space<semaphore_mem>>
        %dma_start3A_70 = tpu.memref_slice %arg3[%multiple_of3A] : memref<320000xi32, #tpu.memory_space<hbm>> -> memref<128xi32, #tpu.memory_space<hbm>>
        %dma_start3A_71 = tpu.memref_slice %arg3[%multiple_of3A] : memref<320000xi32, #tpu.memory_space<hbm>> -> memref<128xi32, #tpu.memory_space<hbm>>
        tpu.enqueue_dma source(%dma_start3A_71 : memref<128xi32, #tpu.memory_space<hbm>>) target(%arg6 : memref<128xi32, #tpu.memory_space<vmem>>) target_semaphore(%run_scoped3A_69 : memref<!tpu.dma_semaphore, #tpu.memory_space<semaphore_mem>>)
        %dma_wait3A_72 = tpu.memref_slice %arg3[%multiple_of3A] : memref<320000xi32, #tpu.memory_space<hbm>> -> memref<128xi32, #tpu.memory_space<hbm>>
        %dma_wait3A_73 = tpu.memref_slice %arg3[%multiple_of3A] : memref<320000xi32, #tpu.memory_space<hbm>> -> memref<128xi32, #tpu.memory_space<hbm>>
        tpu.wait_dma2 semaphore(%run_scoped3A_69 : memref<!tpu.dma_semaphore, #tpu.memory_space<semaphore_mem>>) src(%dma_wait3A_73 : memref<128xi32, #tpu.memory_space<hbm>>) dst(%arg6 : memref<128xi32, #tpu.memory_space<vmem>>)
        tpu.yield
      }) : () -> ()
      "tpu.region"() ({
        %run_scoped3A_69 = tpu.sem_alloc : memref<!tpu.dma_semaphore, #tpu.memory_space<semaphore_mem>>
        %dma_start3A_70 = tpu.memref_slice %arg4[%multiple_of3A] : memref<320000xi32, #tpu.memory_space<hbm>> -> memref<128xi32, #tpu.memory_space<hbm>>
        %dma_start3A_71 = tpu.memref_slice %arg4[%multiple_of3A] : memref<320000xi32, #tpu.memory_space<hbm>> -> memref<128xi32, #tpu.memory_space<hbm>>
        tpu.enqueue_dma source(%dma_start3A_71 : memref<128xi32, #tpu.memory_space<hbm>>) target(%arg7 : memref<128xi32, #tpu.memory_space<vmem>>) target_semaphore(%run_scoped3A_69 : memref<!tpu.dma_semaphore, #tpu.memory_space<semaphore_mem>>)
        %dma_wait3A_72 = tpu.memref_slice %arg4[%multiple_of3A] : memref<320000xi32, #tpu.memory_space<hbm>> -> memref<128xi32, #tpu.memory_space<hbm>>
        %dma_wait3A_73 = tpu.memref_slice %arg4[%multiple_of3A] : memref<320000xi32, #tpu.memory_space<hbm>> -> memref<128xi32, #tpu.memory_space<hbm>>
        tpu.wait_dma2 semaphore(%run_scoped3A_69 : memref<!tpu.dma_semaphore, #tpu.memory_space<semaphore_mem>>) src(%dma_wait3A_73 : memref<128xi32, #tpu.memory_space<hbm>>) dst(%arg7 : memref<128xi32, #tpu.memory_space<vmem>>)
        tpu.yield
      }) : () -> ()
      %dma_start3A = arith.constant 0 : i32
      %dma_start3A_58 = arith.constant 0 : i32
      %dma_start3A_59 = tpu.memref_slice %arg2[%dma_start3A, %dma_start3A_58] : memref<160000x128xf32, #tpu.memory_space<hbm>> -> memref<160000x128xf32, #tpu.memory_space<hbm>>
      tpu.enqueue_indirect_dma source(%dma_start3A_59 : memref<160000x128xf32, #tpu.memory_space<hbm>>) target(%arg8 : memref<128x128xf32, #tpu.memory_space<vmem>>) offsets(%arg6 : memref<128xi32, #tpu.memory_space<vmem>>) semaphore(%arg10 : memref<!tpu.dma_semaphore, #tpu.memory_space<semaphore_mem>>)
      %dma_start3A_60 = arith.constant 0 : i32
      %dma_start3A_61 = arith.constant 0 : i32
      %dma_start3A_62 = tpu.memref_slice %arg2[%dma_start3A_60, %dma_start3A_61] : memref<160000x128xf32, #tpu.memory_space<hbm>> -> memref<160000x128xf32, #tpu.memory_space<hbm>>
      tpu.enqueue_indirect_dma source(%dma_start3A_62 : memref<160000x128xf32, #tpu.memory_space<hbm>>) target(%arg9 : memref<128x128xf32, #tpu.memory_space<vmem>>) offsets(%arg7 : memref<128xi32, #tpu.memory_space<vmem>>) semaphore(%arg10 : memref<!tpu.dma_semaphore, #tpu.memory_space<semaphore_mem>>)
      %dma_wait3A = arith.constant 0 : i32
      %dma_wait3A_63 = arith.constant 0 : i32
      %dma_wait3A_64 = tpu.memref_slice %arg2[%dma_wait3A, %dma_wait3A_63] : memref<160000x128xf32, #tpu.memory_space<hbm>> -> memref<160000x128xf32, #tpu.memory_space<hbm>>
      tpu.wait_indirect_dma semaphore(%arg10 : memref<!tpu.dma_semaphore, #tpu.memory_space<semaphore_mem>>) src(%dma_wait3A_64 : memref<160000x128xf32, #tpu.memory_space<hbm>>) dst(%arg8 : memref<128x128xf32, #tpu.memory_space<vmem>>)
      %dma_wait3A_65 = arith.constant 0 : i32
      %dma_wait3A_66 = arith.constant 0 : i32
      %dma_wait3A_67 = tpu.memref_slice %arg2[%dma_wait3A_65, %dma_wait3A_66] : memref<160000x128xf32, #tpu.memory_space<hbm>> -> memref<160000x128xf32, #tpu.memory_space<hbm>>
      tpu.wait_indirect_dma semaphore(%arg10 : memref<!tpu.dma_semaphore, #tpu.memory_space<semaphore_mem>>) src(%dma_wait3A_67 : memref<160000x128xf32, #tpu.memory_space<hbm>>) dst(%arg9 : memref<128x128xf32, #tpu.memory_space<vmem>>)
      %run_scoped3A = arith.constant 0 : i32
      "tpu.region"() ({
        %run_scoped3A_69 = tpu.sem_alloc : memref<!tpu.dma_semaphore, #tpu.memory_space<semaphore_mem>>
        %dma_start3A_70 = arith.constant 0 : i32
        %dma_start3A_71 = tpu.memref_slice %arg5[%run_scoped3A, %multiple_of3A, %dma_start3A_70] : memref<2x320000x128xf32, #tpu.memory_space<hbm>> -> memref<1x128x128xf32, #tpu.memory_space<hbm>>
        %dma_start3A_72 = tpu.memref_squeeze %dma_start3A_71 : memref<1x128x128xf32, #tpu.memory_space<hbm>> -> memref<128x128xf32, #tpu.memory_space<hbm>>
        %dma_start3A_73 = arith.constant 0 : i32
        %dma_start3A_74 = tpu.memref_slice %arg5[%run_scoped3A, %multiple_of3A, %dma_start3A_73] : memref<2x320000x128xf32, #tpu.memory_space<hbm>> -> memref<1x128x128xf32, #tpu.memory_space<hbm>>
        %dma_start3A_75 = tpu.memref_squeeze %dma_start3A_74 : memref<1x128x128xf32, #tpu.memory_space<hbm>> -> memref<128x128xf32, #tpu.memory_space<hbm>>
        tpu.enqueue_dma source(%arg8 : memref<128x128xf32, #tpu.memory_space<vmem>>) target(%dma_start3A_75 : memref<128x128xf32, #tpu.memory_space<hbm>>) target_semaphore(%run_scoped3A_69 : memref<!tpu.dma_semaphore, #tpu.memory_space<semaphore_mem>>)
        %dma_wait3A_76 = arith.constant 0 : i32
        %dma_wait3A_77 = tpu.memref_slice %arg5[%run_scoped3A, %multiple_of3A, %dma_wait3A_76] : memref<2x320000x128xf32, #tpu.memory_space<hbm>> -> memref<1x128x128xf32, #tpu.memory_space<hbm>>
        %dma_wait3A_78 = tpu.memref_squeeze %dma_wait3A_77 : memref<1x128x128xf32, #tpu.memory_space<hbm>> -> memref<128x128xf32, #tpu.memory_space<hbm>>
        %dma_wait3A_79 = arith.constant 0 : i32
        %dma_wait3A_80 = tpu.memref_slice %arg5[%run_scoped3A, %multiple_of3A, %dma_wait3A_79] : memref<2x320000x128xf32, #tpu.memory_space<hbm>> -> memref<1x128x128xf32, #tpu.memory_space<hbm>>
        %dma_wait3A_81 = tpu.memref_squeeze %dma_wait3A_80 : memref<1x128x128xf32, #tpu.memory_space<hbm>> -> memref<128x128xf32, #tpu.memory_space<hbm>>
        tpu.wait_dma2 semaphore(%run_scoped3A_69 : memref<!tpu.dma_semaphore, #tpu.memory_space<semaphore_mem>>) src(%arg8 : memref<128x128xf32, #tpu.memory_space<vmem>>) dst(%dma_wait3A_81 : memref<128x128xf32, #tpu.memory_space<hbm>>)
        tpu.yield
      }) : () -> ()
      %run_scoped3A_68 = arith.constant 1 : i32
      "tpu.region"() ({
        %run_scoped3A_69 = tpu.sem_alloc : memref<!tpu.dma_semaphore, #tpu.memory_space<semaphore_mem>>
        %dma_start3A_70 = arith.constant 0 : i32
        %dma_start3A_71 = tpu.memref_slice %arg5[%run_scoped3A_68, %multiple_of3A, %dma_start3A_70] : memref<2x320000x128xf32, #tpu.memory_space<hbm>> -> memref<1x128x128xf32, #tpu.memory_space<hbm>>
        %dma_start3A_72 = tpu.memref_squeeze %dma_start3A_71 : memref<1x128x128xf32, #tpu.memory_space<hbm>> -> memref<128x128xf32, #tpu.memory_space<hbm>>
        %dma_start3A_73 = arith.constant 0 : i32
        %dma_start3A_74 = tpu.memref_slice %arg5[%run_scoped3A_68, %multiple_of3A, %dma_start3A_73] : memref<2x320000x128xf32, #tpu.memory_space<hbm>> -> memref<1x128x128xf32, #tpu.memory_space<hbm>>
        %dma_start3A_75 = tpu.memref_squeeze %dma_start3A_74 : memref<1x128x128xf32, #tpu.memory_space<hbm>> -> memref<128x128xf32, #tpu.memory_space<hbm>>
        tpu.enqueue_dma source(%arg9 : memref<128x128xf32, #tpu.memory_space<vmem>>) target(%dma_start3A_75 : memref<128x128xf32, #tpu.memory_space<hbm>>) target_semaphore(%run_scoped3A_69 : memref<!tpu.dma_semaphore, #tpu.memory_space<semaphore_mem>>)
        %dma_wait3A_76 = arith.constant 0 : i32
        %dma_wait3A_77 = tpu.memref_slice %arg5[%run_scoped3A_68, %multiple_of3A, %dma_wait3A_76] : memref<2x320000x128xf32, #tpu.memory_space<hbm>> -> memref<1x128x128xf32, #tpu.memory_space<hbm>>
        %dma_wait3A_78 = tpu.memref_squeeze %dma_wait3A_77 : memref<1x128x128xf32, #tpu.memory_space<hbm>> -> memref<128x128xf32, #tpu.memory_space<hbm>>
        %dma_wait3A_79 = arith.constant 0 : i32
        %dma_wait3A_80 = tpu.memref_slice %arg5[%run_scoped3A_68, %multiple_of3A, %dma_wait3A_79] : memref<2x320000x128xf32, #tpu.memory_space<hbm>> -> memref<1x128x128xf32, #tpu.memory_space<hbm>>
        %dma_wait3A_81 = tpu.memref_squeeze %dma_wait3A_80 : memref<1x128x128xf32, #tpu.memory_space<hbm>> -> memref<128x128xf32, #tpu.memory_space<hbm>>
        tpu.wait_dma2 semaphore(%run_scoped3A_69 : memref<!tpu.dma_semaphore, #tpu.memory_space<semaphore_mem>>) src(%arg9 : memref<128x128xf32, #tpu.memory_space<vmem>>) dst(%dma_wait3A_81 : memref<128x128xf32, #tpu.memory_space<hbm>>)
        tpu.yield
      }) : () -> ()
    }
    %while3A_54 = arith.constant 1 : i32
    scf.for %while3A_55 = %while3A_52 to %while3A_48 step %while3A_54  : i32 {
      %mul3A_56 = arith.constant 128 : i32
      %mul3A_57 = arith.muli %while3A_55, %mul3A_56 : i32
      %multiple_of3A = tpu.assume_multiple %mul3A_57, 128 : i32
      "tpu.region"() ({
        %run_scoped3A_69 = tpu.sem_alloc : memref<!tpu.dma_semaphore, #tpu.memory_space<semaphore_mem>>
        %dma_start3A_70 = tpu.memref_slice %arg3[%multiple_of3A] : memref<320000xi32, #tpu.memory_space<hbm>> -> memref<128xi32, #tpu.memory_space<hbm>>
        %dma_start3A_71 = tpu.memref_slice %arg3[%multiple_of3A] : memref<320000xi32, #tpu.memory_space<hbm>> -> memref<128xi32, #tpu.memory_space<hbm>>
        tpu.enqueue_dma source(%dma_start3A_71 : memref<128xi32, #tpu.memory_space<hbm>>) target(%arg6 : memref<128xi32, #tpu.memory_space<vmem>>) target_semaphore(%run_scoped3A_69 : memref<!tpu.dma_semaphore, #tpu.memory_space<semaphore_mem>>)
        %dma_wait3A_72 = tpu.memref_slice %arg3[%multiple_of3A] : memref<320000xi32, #tpu.memory_space<hbm>> -> memref<128xi32, #tpu.memory_space<hbm>>
        %dma_wait3A_73 = tpu.memref_slice %arg3[%multiple_of3A] : memref<320000xi32, #tpu.memory_space<hbm>> -> memref<128xi32, #tpu.memory_space<hbm>>
        tpu.wait_dma2 semaphore(%run_scoped3A_69 : memref<!tpu.dma_semaphore, #tpu.memory_space<semaphore_mem>>) src(%dma_wait3A_73 : memref<128xi32, #tpu.memory_space<hbm>>) dst(%arg6 : memref<128xi32, #tpu.memory_space<vmem>>)
        tpu.yield
      }) : () -> ()
      "tpu.region"() ({
        %run_scoped3A_69 = tpu.sem_alloc : memref<!tpu.dma_semaphore, #tpu.memory_space<semaphore_mem>>
        %dma_start3A_70 = tpu.memref_slice %arg4[%multiple_of3A] : memref<320000xi32, #tpu.memory_space<hbm>> -> memref<128xi32, #tpu.memory_space<hbm>>
        %dma_start3A_71 = tpu.memref_slice %arg4[%multiple_of3A] : memref<320000xi32, #tpu.memory_space<hbm>> -> memref<128xi32, #tpu.memory_space<hbm>>
        tpu.enqueue_dma source(%dma_start3A_71 : memref<128xi32, #tpu.memory_space<hbm>>) target(%arg7 : memref<128xi32, #tpu.memory_space<vmem>>) target_semaphore(%run_scoped3A_69 : memref<!tpu.dma_semaphore, #tpu.memory_space<semaphore_mem>>)
        %dma_wait3A_72 = tpu.memref_slice %arg4[%multiple_of3A] : memref<320000xi32, #tpu.memory_space<hbm>> -> memref<128xi32, #tpu.memory_space<hbm>>
        %dma_wait3A_73 = tpu.memref_slice %arg4[%multiple_of3A] : memref<320000xi32, #tpu.memory_space<hbm>> -> memref<128xi32, #tpu.memory_space<hbm>>
        tpu.wait_dma2 semaphore(%run_scoped3A_69 : memref<!tpu.dma_semaphore, #tpu.memory_space<semaphore_mem>>) src(%dma_wait3A_73 : memref<128xi32, #tpu.memory_space<hbm>>) dst(%arg7 : memref<128xi32, #tpu.memory_space<vmem>>)
        tpu.yield
      }) : () -> ()
      %dma_start3A = arith.constant 0 : i32
      %dma_start3A_58 = arith.constant 0 : i32
      %dma_start3A_59 = tpu.memref_slice %arg2[%dma_start3A, %dma_start3A_58] : memref<160000x128xf32, #tpu.memory_space<hbm>> -> memref<160000x128xf32, #tpu.memory_space<hbm>>
      tpu.enqueue_indirect_dma source(%dma_start3A_59 : memref<160000x128xf32, #tpu.memory_space<hbm>>) target(%arg8 : memref<128x128xf32, #tpu.memory_space<vmem>>) offsets(%arg6 : memref<128xi32, #tpu.memory_space<vmem>>) semaphore(%arg10 : memref<!tpu.dma_semaphore, #tpu.memory_space<semaphore_mem>>)
      %dma_start3A_60 = arith.constant 0 : i32
      %dma_start3A_61 = arith.constant 0 : i32
      %dma_start3A_62 = tpu.memref_slice %arg2[%dma_start3A_60, %dma_start3A_61] : memref<160000x128xf32, #tpu.memory_space<hbm>> -> memref<160000x128xf32, #tpu.memory_space<hbm>>
      tpu.enqueue_indirect_dma source(%dma_start3A_62 : memref<160000x128xf32, #tpu.memory_space<hbm>>) target(%arg9 : memref<128x128xf32, #tpu.memory_space<vmem>>) offsets(%arg7 : memref<128xi32, #tpu.memory_space<vmem>>) semaphore(%arg10 : memref<!tpu.dma_semaphore, #tpu.memory_space<semaphore_mem>>)
      %dma_wait3A = arith.constant 0 : i32
      %dma_wait3A_63 = arith.constant 0 : i32
      %dma_wait3A_64 = tpu.memref_slice %arg2[%dma_wait3A, %dma_wait3A_63] : memref<160000x128xf32, #tpu.memory_space<hbm>> -> memref<160000x128xf32, #tpu.memory_space<hbm>>
      tpu.wait_indirect_dma semaphore(%arg10 : memref<!tpu.dma_semaphore, #tpu.memory_space<semaphore_mem>>) src(%dma_wait3A_64 : memref<160000x128xf32, #tpu.memory_space<hbm>>) dst(%arg8 : memref<128x128xf32, #tpu.memory_space<vmem>>)
      %dma_wait3A_65 = arith.constant 0 : i32
      %dma_wait3A_66 = arith.constant 0 : i32
      %dma_wait3A_67 = tpu.memref_slice %arg2[%dma_wait3A_65, %dma_wait3A_66] : memref<160000x128xf32, #tpu.memory_space<hbm>> -> memref<160000x128xf32, #tpu.memory_space<hbm>>
      tpu.wait_indirect_dma semaphore(%arg10 : memref<!tpu.dma_semaphore, #tpu.memory_space<semaphore_mem>>) src(%dma_wait3A_67 : memref<160000x128xf32, #tpu.memory_space<hbm>>) dst(%arg9 : memref<128x128xf32, #tpu.memory_space<vmem>>)
      %run_scoped3A = arith.constant 0 : i32
      "tpu.region"() ({
        %run_scoped3A_69 = tpu.sem_alloc : memref<!tpu.dma_semaphore, #tpu.memory_space<semaphore_mem>>
        %dma_start3A_70 = arith.constant 0 : i32
        %dma_start3A_71 = tpu.memref_slice %arg5[%run_scoped3A, %multiple_of3A, %dma_start3A_70] : memref<2x320000x128xf32, #tpu.memory_space<hbm>> -> memref<1x128x128xf32, #tpu.memory_space<hbm>>
        %dma_start3A_72 = tpu.memref_squeeze %dma_start3A_71 : memref<1x128x128xf32, #tpu.memory_space<hbm>> -> memref<128x128xf32, #tpu.memory_space<hbm>>
        %dma_start3A_73 = arith.constant 0 : i32
        %dma_start3A_74 = tpu.memref_slice %arg5[%run_scoped3A, %multiple_of3A, %dma_start3A_73] : memref<2x320000x128xf32, #tpu.memory_space<hbm>> -> memref<1x128x128xf32, #tpu.memory_space<hbm>>
        %dma_start3A_75 = tpu.memref_squeeze %dma_start3A_74 : memref<1x128x128xf32, #tpu.memory_space<hbm>> -> memref<128x128xf32, #tpu.memory_space<hbm>>
        tpu.enqueue_dma source(%arg8 : memref<128x128xf32, #tpu.memory_space<vmem>>) target(%dma_start3A_75 : memref<128x128xf32, #tpu.memory_space<hbm>>) target_semaphore(%run_scoped3A_69 : memref<!tpu.dma_semaphore, #tpu.memory_space<semaphore_mem>>)
        %dma_wait3A_76 = arith.constant 0 : i32
        %dma_wait3A_77 = tpu.memref_slice %arg5[%run_scoped3A, %multiple_of3A, %dma_wait3A_76] : memref<2x320000x128xf32, #tpu.memory_space<hbm>> -> memref<1x128x128xf32, #tpu.memory_space<hbm>>
        %dma_wait3A_78 = tpu.memref_squeeze %dma_wait3A_77 : memref<1x128x128xf32, #tpu.memory_space<hbm>> -> memref<128x128xf32, #tpu.memory_space<hbm>>
        %dma_wait3A_79 = arith.constant 0 : i32
        %dma_wait3A_80 = tpu.memref_slice %arg5[%run_scoped3A, %multiple_of3A, %dma_wait3A_79] : memref<2x320000x128xf32, #tpu.memory_space<hbm>> -> memref<1x128x128xf32, #tpu.memory_space<hbm>>
        %dma_wait3A_81 = tpu.memref_squeeze %dma_wait3A_80 : memref<1x128x128xf32, #tpu.memory_space<hbm>> -> memref<128x128xf32, #tpu.memory_space<hbm>>
        tpu.wait_dma2 semaphore(%run_scoped3A_69 : memref<!tpu.dma_semaphore, #tpu.memory_space<semaphore_mem>>) src(%arg8 : memref<128x128xf32, #tpu.memory_space<vmem>>) dst(%dma_wait3A_81 : memref<128x128xf32, #tpu.memory_space<hbm>>)
        tpu.yield
      }) : () -> ()
      %run_scoped3A_68 = arith.constant 1 : i32
      "tpu.region"() ({
        %run_scoped3A_69 = tpu.sem_alloc : memref<!tpu.dma_semaphore, #tpu.memory_space<semaphore_mem>>
        %dma_start3A_70 = arith.constant 0 : i32
        %dma_start3A_71 = tpu.memref_slice %arg5[%run_scoped3A_68, %multiple_of3A, %dma_start3A_70] : memref<2x320000x128xf32, #tpu.memory_space<hbm>> -> memref<1x128x128xf32, #tpu.memory_space<hbm>>
        %dma_start3A_72 = tpu.memref_squeeze %dma_start3A_71 : memref<1x128x128xf32, #tpu.memory_space<hbm>> -> memref<128x128xf32, #tpu.memory_space<hbm>>
        %dma_start3A_73 = arith.constant 0 : i32
        %dma_start3A_74 = tpu.memref_slice %arg5[%run_scoped3A_68, %multiple_of3A, %dma_start3A_73] : memref<2x320000x128xf32, #tpu.memory_space<hbm>> -> memref<1x128x128xf32, #tpu.memory_space<hbm>>
        %dma_start3A_75 = tpu.memref_squeeze %dma_start3A_74 : memref<1x128x128xf32, #tpu.memory_space<hbm>> -> memref<128x128xf32, #tpu.memory_space<hbm>>
        tpu.enqueue_dma source(%arg9 : memref<128x128xf32, #tpu.memory_space<vmem>>) target(%dma_start3A_75 : memref<128x128xf32, #tpu.memory_space<hbm>>) target_semaphore(%run_scoped3A_69 : memref<!tpu.dma_semaphore, #tpu.memory_space<semaphore_mem>>)
        %dma_wait3A_76 = arith.constant 0 : i32
        %dma_wait3A_77 = tpu.memref_slice %arg5[%run_scoped3A_68, %multiple_of3A, %dma_wait3A_76] : memref<2x320000x128xf32, #tpu.memory_space<hbm>> -> memref<1x128x128xf32, #tpu.memory_space<hbm>>
        %dma_wait3A_78 = tpu.memref_squeeze %dma_wait3A_77 : memref<1x128x128xf32, #tpu.memory_space<hbm>> -> memref<128x128xf32, #tpu.memory_space<hbm>>
        %dma_wait3A_79 = arith.constant 0 : i32
        %dma_wait3A_80 = tpu.memref_slice %arg5[%run_scoped3A_68, %multiple_of3A, %dma_wait3A_79] : memref<2x320000x128xf32, #tpu.memory_space<hbm>> -> memref<1x128x128xf32, #tpu.memory_space<hbm>>
        %dma_wait3A_81 = tpu.memref_squeeze %dma_wait3A_80 : memref<1x128x128xf32, #tpu.memory_space<hbm>> -> memref<128x128xf32, #tpu.memory_space<hbm>>
        tpu.wait_dma2 semaphore(%run_scoped3A_69 : memref<!tpu.dma_semaphore, #tpu.memory_space<semaphore_mem>>) src(%arg9 : memref<128x128xf32, #tpu.memory_space<vmem>>) dst(%dma_wait3A_81 : memref<128x128xf32, #tpu.memory_space<hbm>>)
        tpu.yield
      }) : () -> ()
    }
    return
  }
}

</mosaic_0001>

<sc_bundles>
// kernel: _gatherr.3.cloned.1.call-start
scs
__scs_entry_jumppad:
0x0: {  	(pc) =	sbr.rel $0x88, $3  }
0x1: {  	(tag) =	ssettag $0x0;
	lr =	simm.s32 $0x1  }
0x2: {  	[smem:$0x3F9E] =	sst lr;
	_ =	strace $0xD0000000  }
0x3: {  	_ = 	snop  }
0x4: {  	_ = 	snop  }
0x5: {  	_ = 	snop  }
0x6: {  	_ = 	snop  }
0x7: {  	_ = 	snop  }
__scs_overlays_trampoline_lowered:
0x8: {  	[smem:$0x3FAD] =	sst s0  }
0x9: {  	[smem:$0x3FAE] =	sst s1  }
0xa: {  	[smem:$0x3FAF] =	sst s2  }
0xb: {  	[smem:$0x3FB0] =	sst s3  }
0xc: {  	[smem:$0x3FB1] =	sst s4  }
0xd: {  	[smem:$0x3FB2] =	sst s5  }
0xe: {  	[smem:$0x3FB3] =	sst s6  }
0xf: {  	[smem:$0x3FB4] =	sst s7  }
0x10: {  	[smem:$0x3FB5] =	sst s8  }
0x11: {  	[smem:$0x3FB6] =	sst s9;
	s0 =	simm.s32 @!p0 $0x0  }
0x12: {  	s1 =	sld [smem:$0x3F9C];
	s0 =	simm.s32 @p0 $0x1  }
0x13: {  	[smem:$0x3FB7] =	sst s0;
	s0 =	simm.s32 @!p1 $0x0  }
0x14: {  	s2 =	sld [smem:$0x3F9B];
	s0 =	simm.s32 @p1 $0x1  }
0x15: {  	[smem:$0x3FB8] =	sst s0;
	s0 =	simm.s32 @!p2 $0x0  }
0x16: {  	s3 =	sld [smem:$0x3FDB];
	s0 =	simm.s32 @p2 $0x1  }
0x17: {  	s4 =	simm.s32 $0x1BF5;
	[smem:$0x3FBA] =	sst s0  }
0x18: {  	s0 =	sld [smem:$0x3F9D];
	_ =	swait.ge [sflag:s4], $0x0  }
0x19: {  	s7 =	sld [smem:$0x3F9E]  }
0x1a: {  	s8 =	sadd.s32 $0xFFFFE003, lr  }
0x1b: {  	s9 =	sadd.s32 $0xFFFFFEF7, lr;
	s5 =	simm.s32 $0xFFFFFFFF;
	p2 =	slt.u32 s8, $0xFFFFF086  }
0x1c: {  	p1 =	slt.u32 s9, $0xF7A;
	s5 =	simm.s32 @!p2 $0x0  }
0x1d: {  	s5 =	simm.s32 @p1 $0x1;
	p0 =	seq.s32 s7, s2  }
0x1e: {  	s7 =	smul.u32 @!p0 $0xF7A, s2;
	p2 =	seq.s32 @!p0 s5, $0x0  }
0x1f: {  	s9 =	smul.u32 $0xF7A, s1;
	s8 =	simm.s32 @!p0 $0x1BF5;
	p2 =	por !p2, p0  }
0x20: {  	[sflag:s8] =	ssyncset.s32 @!p0 $0xFFFFF086;
	s6 =	sadd.s32 @!p0 s3, s7;
	s7 =	simm.s32 @!p0 $0x108  }
0x21: {  	s3 =	sadd.s32 s3, s9;
	s6 =	sadd.s32 @!p0 $0x88, s6;
	s7 =	simm.s32 @p2 $0x1082  }
0x22: {  	[simem:s7], [sflag:s8] =	dma.local @!p0 [hbm:s6], $0xF7A  }
0x23: {  	s9 =	sor.u32 $0xD0000000, s2;
	s6 =	simm.s32 $0x108;
	_ =	swait.ge @!p0 [sflag:s8], $0x0  }
0x24: {  	s3 =	sadd.s32 $0x88, s3;
	s6 =	simm.s32 @!p1 $0x1082;
	[sflag:s4] =	ssyncset.s32 $0xFFFFF086  }
0x25: {  	[simem:s6], [sflag:s4] =	dma.local [hbm:s3], $0xF7A  }
0x26: {  	[smem:$0x3F9E] =	sst s1;
	(tag) =	ssettag s2;
	_ =	strace s9  }
0x27: {  	s1 =	sld [smem:$0x3FAE]  }
0x28: {  	s2 =	sld [smem:$0x3FAF]  }
0x29: {  	s4 =	sld [smem:$0x3FB1]  }
0x2a: {  	p0 =	seq.s32 s5, $0x0;
	s5 =	sld [smem:$0x3FB2]  }
0x2b: {  	s6 =	sld [smem:$0x3FB3]  }
0x2c: {  	s7 =	sld [smem:$0x3FB4]  }
0x2d: {  	s3 =	simm.s32 $0x108;
	s8 =	sld [smem:$0x3FB5]  }
0x2e: {  	s3 =	simm.s32 @!p0 $0x1082;
	s9 =	sld [smem:$0x3FB6]  }
0x2f: {  	lr =	sadd.s32 s0, s3;
	s0 =	sld [smem:$0x3FAD]  }
0x30: {  	s3 =	sld [smem:$0x3FB0]  }
0x31: {  	[smem:$0x3FB9] =	sst s10  }
0x32: {  	s10 =	sld [smem:$0x3FB7];
	_ =	sdelay $0x3  }
0x33: {  	p0 =	seq.s32 s10, $0x1;
	s10 =	sld [smem:$0x3FB9];
	_ =	sdelay $0x3  }
0x34: {  	[smem:$0x3FB9] =	sst s10  }
0x35: {  	s10 =	sld [smem:$0x3FB8];
	_ =	sdelay $0x3  }
0x36: {  	p1 =	seq.s32 s10, $0x1;
	s10 =	sld [smem:$0x3FB9];
	_ =	sdelay $0x3  }
0x37: {  	[smem:$0x3FB9] =	sst s10  }
0x38: {  	s10 =	sld [smem:$0x3FBA]  }
0x39: {  	_ = 	snop;
	(pc) =	sbr.ind lr, $3  }
0x3a: {  	_ = 	snop  }
0x3b: {  	_ = 	snop  }
0x3c: {  	p2 =	seq.s32 s10, $0x1;
	s10 =	sld [smem:$0x3FB9]  }
0x3d: {  	_ =	shalt  }
0x3e: {  	_ =	shalt  }
0x3f: {  	_ =	shalt  }
0x40: {  	_ =	shalt  }
0x41: {  	_ =	shalt  }
0x42: {  	_ =	shalt  }
0x43: {  	_ =	shalt  }
0x44: {  	_ =	shalt  }
0x45: {  	_ =	shalt  }
0x46: {  	_ =	shalt  }
0x47: {  	_ =	shalt  }
0x48: {  	_ =	shalt  }
0x49: {  	_ =	shalt  }
0x4a: {  	_ =	shalt  }
0x4b: {  	_ =	shalt  }
0x4c: {  	_ =	shalt  }
0x4d: {  	_ =	shalt  }
0x4e: {  	_ =	shalt  }
0x4f: {  	_ =	shalt  }
0x50: {  	_ =	shalt  }
0x51: {  	_ =	shalt  }
0x52: {  	_ =	shalt  }
0x53: {  	_ =	shalt  }
0x54: {  	_ =	shalt  }
0x55: {  	_ =	shalt  }
0x56: {  	_ =	shalt  }
0x57: {  	_ =	shalt  }
0x58: {  	_ =	shalt  }
0x59: {  	_ =	shalt  }
0x5a: {  	_ =	shalt  }
0x5b: {  	_ =	shalt  }
0x5c: {  	_ =	shalt  }
0x5d: {  	_ =	shalt  }
0x5e: {  	_ =	shalt  }
0x5f: {  	_ =	shalt  }
0x60: {  	_ =	shalt  }
0x61: {  	_ =	shalt  }
0x62: {  	_ =	shalt  }
0x63: {  	_ =	shalt  }
0x64: {  	_ =	shalt  }
0x65: {  	_ =	shalt  }
0x66: {  	_ =	shalt  }
0x67: {  	_ =	shalt  }
0x68: {  	_ =	shalt  }
0x69: {  	_ =	shalt  }
0x6a: {  	_ =	shalt  }
0x6b: {  	_ =	shalt  }
0x6c: {  	_ =	shalt  }
0x6d: {  	_ =	shalt  }
0x6e: {  	_ =	shalt  }
0x6f: {  	_ =	shalt  }
0x70: {  	_ =	shalt  }
0x71: {  	_ =	shalt  }
0x72: {  	_ =	shalt  }
0x73: {  	_ =	shalt  }
0x74: {  	_ =	shalt  }
0x75: {  	_ =	shalt  }
0x76: {  	_ =	shalt  }
0x77: {  	_ =	shalt  }
0x78: {  	_ =	shalt  }
0x79: {  	_ =	shalt  }
0x7a: {  	_ =	shalt  }
0x7b: {  	_ =	shalt  }
0x7c: {  	_ =	shalt  }
0x7d: {  	_ =	shalt  }
0x7e: {  	_ =	shalt  }
0x7f: {  	_ =	shalt  }
0x80: {  	_ =	shalt  }
0x81: {  	_ =	shalt  }
0x82: {  	_ =	shalt  }
0x83: {  	_ =	shalt  }
0x84: {  	_ =	shalt  }
0x85: {  	_ =	shalt  }
0x86: {  	_ =	shalt  }
0x87: {  	_ =	shalt  }
.Lfunc_end0:
.L_simem_size_0:
called_computation_lowered:
.L_overlay_start_0:
0x88: {  	s2 =	sld [smem:$0x3FD9]  }
0x89: {  	s3 =	sld [smem:$0x3FFE];
	_ =	sdelay $0x1  }
0x8a: {  	s1 =	srdreg.scid  }
0x8b: {  	s0 =	sand.u32 $0x1, s1  }
0x8c: {  	s18 =	sshll.u32 s0, $0xA;
	s2 =	sadd.s32 s3, s2  }
0x8d: {  	s2 =	sadd.s32 s2, s18  }
0x8e: {  	[smem:$0x3FC5] =	sst s2  }
0x8f: {  	_ = 	snop  }
0x90: {  	s2 =	sld [smem:$0x3FC9]  }
0x91: {  	s19 =	sld [smem:$0x3FC8]  }
0x92: {  	s4 =	sld [smem:$0x3FC7]  }
0x93: {  	s5 =	sld [smem:$0x3FD0];
	(tm) =	ssettm $0x1  }
0x94: {  	s6 =	sld [smem:$0x3FFB];
	_ =	sdelay $0x3  }
0x95: {  	_ =	strace s6  }
0x96: {  	s6 =	sld [smem:$0x3FFC];
	_ =	sdelay $0x3  }
0x97: {  	_ =	strace s6  }
0x98: {  	s6 =	sld [smem:$0x3FFD];
	_ =	sdelay $0x3  }
0x99: {  	_ =	strace s6  }
0x9a: {  	_ =	strace $0x8FFFFFFF  }
0x9b: {  	s20 =	sld [smem:$0x3FDB];
	_ =	sdelay $0x1  }
0x9c: {  	s7 =	simm.s32 $_scs_section_size  }
0x9d: {  	s8 =	simm.s32 $_size__tile_overlayer_lowered;
	s9 =	simm.s32 $_tile_overlayer_lowered  }
0x9e: {  	s23 =	simm.s32 $0x1BFF;
	s22 =	sshll.u32 s9, $0x1;
	s6 =	sadd.s32 s7, s20  }
0x9f: {  	s10 =	simm.s32 $0x0;
	s21 =	sshll.u32 s8, $0x1;
	s8 =	sadd.s32 s22, s6  }
0xa0: {  	[timem:s10], [sflag:s23] =	dma.local [hbm:s8], s21  }
0xa1: {  	_ =	swait.ge [sflag:s23], s21  }
0xa2: {  	s7 =	ssub.s32 $0x0, s21;
	[sflag:s23] =	ssyncset.done $0x0  }
0xa3: {  	[sflag:s23] =	ssyncadd.s32 s7;
	_ =	sdelay $0x1  }
0xa4: {  	s24 =	simm.s32 $0x1B8B  }
0xa5: {  	_ =	swait.ge [sflag:s24], $0x1  }
0xa6: {  	[sflag:s24] =	ssyncset.done $0x0  }
0xa7: {  	s25 =	simm.s32 $0x1B8E;
	[sflag:s24] =	ssyncadd.s32 $0xFFFFFFFF  }
0xa8: {  	s26 =	simm.s32 $execute0_lowered;
	[smem:$0x3FD2] =	sst s25  }
0xa9: {  	s7 =	sshll.u32 s26, $0x1;
	_ =	strace $0x80000046;
	[dreg:$0x1] =	wrdreg $0xFFFFFFFF  }
0xaa: {  	s28 =	simm.s32 $_size_execute0_lowered;
	s6 =	sadd.s32 s6, s7;
	[dreg:$0x0] =	wrdreg $0x0  }
0xab: {  	s7 =	sshll.u32 s28, $0x1;
	[dreg:$0x2] =	wrdreg s6  }
0xac: {  	[dreg:$0x3] =	wrdreg s7  }
0xad: {  	[dreg:$0x4] =	wrdreg $0xC0  }
0xae: {  	_ =	task [dreg:s10], $0x5FFFF  }
0xaf: {  	[dreg:$0x1] =	wrdreg $0xFFFFFFFF  }
0xb0: {  	[dreg:$0x0] =	wrdreg $0x60  }
0xb1: {  	[dreg:$0x2] =	wrdreg s2  }
0xb2: {  	[dreg:$0x3] =	wrdreg s19  }
0xb3: {  	[dreg:$0x4] =	wrdreg s4  }
0xb4: {  	[dreg:$0x5] =	wrdreg s5  }
0xb5: {  	[dreg:$0x6] =	wrdreg $0x9  }
0xb6: {  	_ =	task.clear_ibuf [dreg:s10], $0x7FFFF;
	_ =	strace $0x90000046  }
0xb7: {  	s29 =	simm.s32 $0x9;
	_ =	strace $0x80000048  }
0xb8: {  	_ =	swait.ge [sflag:s29], $0x1  }
0xb9: {  	[sflag:s29] =	ssyncadd.s32 $0xFFFFFFFF  }
0xba: {  	_ =	strace $0x90000048  }
0xbb: {  	_ =	sfence  }
0xbc: {  	s30 =	sld [smem:$0x0];
	_ =	sdelay $0x2  }
0xbd: {  	s31 =	sshll.u32 s1, $0xD;
	s1 =	sshrl.u32 s1, $0x2  }
0xbe: {  	s3 =	sand.u32 $0x4000, s31;
	s1 =	sadd.s32 s1, s30  }
0xbf: {  	s0 =	sor.u32 s3, s0;
	s1 =	sshll.u32 s1, $0x11  }
0xc0: {  	s0 =	sor.u32 s1, s0  }
0xc1: {  	s0 =	sadd.s32 $0x8F2B, s0  }
0xc2: {  	[sflag:s0] =	ssyncadd.remote.s32 $0x1  }
0xc3: {  	_ =	sfence.sel $0xFFFF  }
0xc4: {  	[dreg:$0x0] =	wrdreg $0xFFFFFFFF;
	(pc) =	sbr.abs _section_cstart, $3  }
0xc5: {  	[dreg:$0x1] =	wrdreg $0xFFFFFFFF  }
0xc6: {  	_ =	task.clear_ibuf [dreg:s10], $0x2FFFF;
	_ =	strace $0x9FFFFFFF  }
0xc7: {  	(tm) =	ssettm $0x7FFFFFFF  }
tec
execute0_lowered:
.L_overlay_start_1:
0x0: {  	(tag) =	ssettag $0x1  }
0x1: {  	s2 =	srdreg.scid;
	s0 =	stileid.u32  }
0x2: {  	s5 =	sand.u32 $0x1, s2;
	s31 =	sshll.u32 s0, $0x1  }
0x3: {  	s2 =	sor.u32 s5, s31  }
0x4: {  	s6 =	smul.u32 $0x9C4, s2;
	_ =	sdelay $0x1  }
0x5: {  	s10 =	sadd.s32 $0x9C4, s6  }
0x6: {  	s7 =	sshrl.u32 s6, $0x5;
	s6 =	sshrl.u32 s10, $0x5  }
0x7: {  	s1 =	rddreg [dreg:$0x0];
	p0 =	sle.u32 s6, s7  }
.Ltmp0:
0x8: {  	s9 =	rddreg [dreg:$0x1];
	(pc) =	sbr.rel @p0 .LBB2_5-.Ltmp0, $4  }
0x9: {  	s8 =	rddreg [dreg:$0x2]  }
0xa: {  	s3 =	rddreg [dreg:$0x3];
	s4 =	simm.s32 $0x0  }
0xb: {  	[smem:$0x7FF] =	sst s4  }
0xc: {  	s2 =	rddreg [dreg:$0x4];
	_ =	strace $0x80000047  }
0xd: {  	s5 =	ssub.s32 $0x2, s5  }
0xe: {  	s6 =	ssub.s32 s6, s7;
	s31 =	sshll.u32 s7, $0xE;
	s11 =	sshll.u32 s7, $0x4  }
0xf: {  	s12 =	simm.s32 $0x100;
	s13 =	simm.s32 $0x4100;
	s14 =	simm.s32 $0x1  }
0x10: {  	s15 =	simm.s32 $0x0;
	s10 =	sshrl.u32 s5, $0x1;
	s7 =	sadd.s32 $0x2710000, s31  }
0x11: {  	s8 =	sadd.s32 s11, s8;
	s9 =	sadd.s32 s11, s9;
	s5 =	ssub.s32 s5, s10  }
0x12: {  	s11 =	simm.s32 $0x80;
	s10 =	simm.s32 $0x2;
	s5 =	smax.u32 s5, $0x1  }
.LBB2_2:
0x13: {  	[tilespmem:s4], [sflag:$0x2] =	stream.linear.gather [hbm4b:s9+s4], $0x80, $0x38;
	[tilespmem:$0x8100] =	vst v63  }
0x14: {  	_ =	swait.ge [sflag:s10], $0x80  }
0x15: {  	[sflag:s10] =	ssyncset.done $0x0  }
0x16: {  	[sflag:s10] =	ssyncadd.s32 $0xFFFFFF80  }
0x17: {  	[tilespmem:s11], [sflag:$0x2] =	stream.linear.gather [hbm4b:s8+s4], $0x80, $0x38;
	[tilespmem:$0x8100] =	vst v63  }
0x18: {  	_ =	swait.ge [sflag:s10], $0x80  }
0x19: {  	[sflag:s10] =	ssyncset.done $0x0  }
0x1a: {  	[sflag:s10] =	ssyncadd.s32 $0xFFFFFF80  }
0x1b: {  	[tilespmem:s12], [sflag:$0x1] =	stream.indirect.gather [hbm4b:s1+s11], $0x80, s4, s11, $0xb8;
	[tilespmem:$0x8100] =	vst v63  }
0x1c: {  	_ = 	snop  }
0x1d: {  	[tilespmem:s13], [sflag:$0x1] =	stream.indirect.gather [hbm4b:s1+s11], $0x80, s11, s11, $0xb8;
	[tilespmem:$0x8100] =	vst v63  }
0x1e: {  	_ =	swait.ge [sflag:s14], $0x4000  }
0x1f: {  	[sflag:s14] =	ssyncset.done $0x0  }
0x20: {  	[sflag:s14] =	ssyncadd.s32 $0xFFFFC000  }
0x21: {  	s16 =	sadd.s32 $0xFD8F0000, s7;
	_ =	swait.ge [sflag:s14], $0x4000  }
0x22: {  	s16 =	sshrl.u32 s16, $0x3;
	[sflag:s14] =	ssyncset.done $0x0  }
0x23: {  	s16 =	sadd.s32 s3, s16;
	[sflag:s14] =	ssyncadd.s32 $0xFFFFC000  }
0x24: {  	[hbm4b:s16+s4] =	stream.linear.scatter [tilespmem:s12], [sflag:$0x2], $0x4000, $0x38;
	[tilespmem:$0x8100] =	vst v63  }
0x25: {  	p0 =	sne.s32 s6, $0x1;
	_ =	swait.ge [sflag:s10], $0x4000  }
.Ltmp1:
0x26: {  	s31 =	sshrl.u32 s7, $0x3;
	[sflag:s10] =	ssyncset.done $0x0;
	(pc) =	sbr.rel @!p0 .LBB2_4-.Ltmp1, $4  }
0x27: {  	s16 =	sadd.s32 s3, s31;
	[sflag:s10] =	ssyncadd.s32 $0xFFFFC000  }
0x28: {  	[hbm4b:s16+s4] =	stream.linear.scatter [tilespmem:s13], [sflag:$0x2], $0x4000, $0x38;
	[tilespmem:$0x8100] =	vst v63  }
0x29: {  	s17 =	sadd.s32 $0x10, s9;
	s18 =	smov.u32 s7;
	_ =	swait.ge [sflag:s10], $0x4000  }
0x2a: {  	s19 =	smov.u32 s8;
	s16 =	sadd.s32 $0xFFFFFFFF, s6;
	[sflag:s10] =	ssyncset.done $0x0  }
.LBB2_3:
0x2b: {  	[sflag:s10] =	ssyncadd.s32 $0xFFFFC000;
	s18 =	sadd.s32 $0x4000, s18;
	s19 =	sadd.s32 $0x10, s19  }
0x2c: {  	[tilespmem:s4], [sflag:$0x2] =	stream.linear.gather [hbm4b:s17+s4], $0x80, $0x38;
	[tilespmem:$0x8100] =	vst v63  }
0x2d: {  	p0 =	sne.s32 s16, $0x1;
	s16 =	sadd.s32 $0xFFFFFFFF, s16;
	_ =	swait.ge [sflag:s10], $0x80  }
0x2e: {  	[sflag:s10] =	ssyncset.done $0x0  }
0x2f: {  	[sflag:s10] =	ssyncadd.s32 $0xFFFFFF80  }
0x30: {  	[tilespmem:s11], [sflag:$0x2] =	stream.linear.gather [hbm4b:s19+s4], $0x80, $0x38;
	[tilespmem:$0x8100] =	vst v63  }
0x31: {  	_ =	swait.ge [sflag:s10], $0x80  }
0x32: {  	[sflag:s10] =	ssyncset.done $0x0  }
0x33: {  	[sflag:s10] =	ssyncadd.s32 $0xFFFFFF80  }
0x34: {  	[tilespmem:s12], [sflag:$0x1] =	stream.indirect.gather [hbm4b:s1+s11], $0x80, s4, s11, $0xb8;
	[tilespmem:$0x8100] =	vst v63  }
0x35: {  	_ = 	snop  }
0x36: {  	[tilespmem:s13], [sflag:$0x1] =	stream.indirect.gather [hbm4b:s1+s11], $0x80, s11, s11, $0xb8;
	[tilespmem:$0x8100] =	vst v63  }
0x37: {  	_ =	swait.ge [sflag:s14], $0x4000  }
0x38: {  	[sflag:s14] =	ssyncset.done $0x0  }
0x39: {  	[sflag:s14] =	ssyncadd.s32 $0xFFFFC000  }
0x3a: {  	s20 =	sadd.s32 $0xFD8F0000, s18;
	_ =	swait.ge [sflag:s14], $0x4000  }
0x3b: {  	s20 =	sshrl.u32 s20, $0x3;
	[sflag:s14] =	ssyncset.done $0x0  }
0x3c: {  	s20 =	sadd.s32 s3, s20;
	[sflag:s14] =	ssyncadd.s32 $0xFFFFC000  }
0x3d: {  	[hbm4b:s20+s4] =	stream.linear.scatter [tilespmem:s12], [sflag:$0x2], $0x4000, $0x38;
	[tilespmem:$0x8100] =	vst v63  }
0x3e: {  	_ =	swait.ge [sflag:s10], $0x4000  }
.Ltmp2:
0x3f: {  	s20 =	sshrl.u32 s18, $0x3;
	[sflag:s10] =	ssyncset.done $0x0;
	(pc) =	sbr.rel @p0 .LBB2_3-.Ltmp2, $4  }
0x40: {  	s20 =	sadd.s32 s3, s20;
	[sflag:s10] =	ssyncadd.s32 $0xFFFFC000  }
0x41: {  	[hbm4b:s20+s4] =	stream.linear.scatter [tilespmem:s13], [sflag:$0x2], $0x4000, $0x38;
	[tilespmem:$0x8100] =	vst v63  }
0x42: {  	_ =	swait.ge [sflag:s10], $0x4000  }
0x43: {  	s17 =	sadd.s32 $0x10, s17;
	[sflag:s10] =	ssyncset.done $0x0  }
.LBB2_4:
0x44: {  	s15 =	sadd.s32 $0x1, s15  }
0x45: {  	p0 =	sne.s32 s15, s5  }
.Ltmp3:
0x46: {  	_ = 	snop;
	(pc) =	sbr.rel @p0 .LBB2_2-.Ltmp3, $2  }
0x47: {  	_ =	sdelay $0x2  }
0x48: {  	[sflag:s10] =	ssyncadd.s32 $0xFFFFC000  }
.LBB2_5:
0x49: {  	_ =	sfence.sel $0x180000  }
0x4a: {  	[bflag:$0x0] =	sbarrier.arrive $0xFFFF  }
0x4b: {  	p0 =	sne.s32 s0, $0x0;
	_ =	strace $0x90000047  }
0x4c: {  	s0 =	sadd.s32 @!p0 $0x100000, s2;
	[bflag:$0x2] =	sbarrier.arrive $0xFFFF  }
0x4d: {  	[sflag:s0] =	ssyncadd.tile.s32 @!p0 $0x1;
	_ =	shalt  }
.Lfunc_end2:
_tile_overlayer_lowered:
.L_overlay_start_2:
0x4e: {  	(tag) =	ssettag $0x2  }
0x4f: {  	s0 =	rddreg [dreg:$0x0];
	s2 =	stileid.u32  }
0x50: {  	s1 =	rddreg [dreg:$0x1];
	p0 =	sne.s32 s2, $0x0  }
0x51: {  	s3 =	rddreg [dreg:$0x2];
	[bflag:$0x3] =	sbarrier.arrive $0xFFFF;
	s2 =	simm.s32 @!p0 $0x1C02  }
0x52: {  	[timem:s3], [sflag:s2] =	dma.local @!p0 [hbm:s0], s1  }
0x53: {  	s0 =	simm.s32 @!p0 $0x2  }
0x54: {  	_ =	swait.ge @!p0 [sflag:s0], s1  }
0x55: {  	s1 =	ssub.s32 @!p0 $0x0, s1;
	[sflag:s0] =	ssyncset.done @!p0 $0x0  }
0x56: {  	[sflag:s0] =	ssyncadd.s32 @!p0 s1  }
0x57: {  	[bflag:$0x3] =	sbarrier.arrive $0xFFFF  }
0x58: {  	_ =	shalt  }

</sc_bundles>
